<compile_context>
chip_gen: v7x
topology: tpu7x:2x2x1
jax: 0.10.2.dev20260603
libtpu: 0.0.44.dev20260713+nightly
codegen_flags: <defaults>
</compile_context>

<pallas_src>
import functools

import jax
import jax.numpy as jnp
from jax import lax
from jax.experimental import pallas as pl
from jax.experimental.pallas import tpu as pltpu
from jax.experimental.pallas import tpu_sc as plsc

SMOOTHING = 0.1
CONFIDENCE = 1.0 - SMOOTHING

BRT = 32
NSPLIT = 8


def _sc_gather_build(B, C):
    info = plsc.get_sparse_core_info()
    nw = info.num_cores * info.num_subcores
    per_w = B // nw
    mesh = plsc.VectorSubcoreMesh(core_axis_name="c", subcore_axis_name="s")

    @functools.partial(
        pl.kernel,
        mesh=mesh,
        out_type=jax.ShapeDtypeStruct((B,), jnp.float32),
        scratch_types=[
            pltpu.VMEM((per_w,), jnp.int32),
            pltpu.VMEM((per_w,), jnp.float32),
            pltpu.SemaphoreType.DMA,
        ],
    )
    def gather_k(pred_flat_hbm, target_hbm, out_hbm, idx_v, vals_v, sem):
        wid = lax.axis_index("s") * info.num_cores + lax.axis_index("c")
        base = wid * per_w
        pltpu.sync_copy(target_hbm.at[pl.ds(base, per_w)], idx_v)
        for jj in range(per_w // 16):
            t = idx_v[pl.ds(jj * 16, 16)]
            rows = (base + jj * 16) + lax.iota(jnp.int32, 16)
            idx_v[pl.ds(jj * 16, 16)] = t + rows * C
        pltpu.async_copy(pred_flat_hbm.at[idx_v], vals_v, sem).wait()
        pltpu.sync_copy(vals_v, out_hbm.at[pl.ds(base, per_w)])

    return gather_k


def _tc_partial_build(B, C, nrows):
    eps = SMOOTHING / (C - 1)
    nb = nrows // BRT
    ck = 128 * pl.cdiv(C, 128 * NSPLIT)
    valid_last = C - (NSPLIT - 1) * ck

    def body(*refs):
        x_refs = refs[:NSPLIT]
        vals_ref, out_ref, acc_ref = refs[NSPLIT], refs[NSPLIT + 1], refs[NSPLIT + 2]
        i = pl.program_id(0)

        @pl.when(i == 0)
        def _():
            acc_ref[...] = jnp.zeros_like(acc_ref)

        xs = [r[...] for r in x_refs]
        lanes = lax.broadcasted_iota(jnp.int32, (BRT, ck), 1)
        mask = lanes < valid_last
        xs_z = xs[:-1] + [jnp.where(mask, xs[-1], 0.0)]
        xs = xs[:-1] + [jnp.where(mask, xs[-1], -jnp.inf)]
        ms = [jnp.max(x, axis=1, keepdims=True) for x in xs]
        m = ms[0]
        for mk in ms[1:]:
            m = jnp.maximum(m, mk)
        s = jnp.zeros_like(m)
        t = jnp.zeros_like(m)
        for x, xz in zip(xs, xs_z):
            s += jnp.sum(jnp.exp(x - m), axis=1, keepdims=True)
            t += jnp.sum(xz, axis=1, keepdims=True)
        lse = m + jnp.log(s)
        loss = eps * (C * lse - t) + (CONFIDENCE - eps) * (lse - vals_ref[...])
        acc_ref[...] += jnp.sum(loss, axis=(0, 1), keepdims=True)

        @pl.when(i == nb - 1)
        def _():
            out_ref[...] = acc_ref[...] * (1.0 / B)

    return pl.pallas_call(
        body,
        grid=(nb,),
        in_specs=[
            pl.BlockSpec((BRT, ck), lambda i, kk=k: (i, kk)) for k in range(NSPLIT)
        ]
        + [pl.BlockSpec((BRT, 1), lambda i: (i, 0))],
        out_specs=pl.BlockSpec((1, 1), lambda i: (0, 0)),
        out_shape=jax.ShapeDtypeStruct((1, 1), jnp.float32),
        scratch_shapes=[
            pltpu.VMEM((1, 1), jnp.float32),
        ],
        compiler_params=pltpu.CompilerParams(
            dimension_semantics=("arbitrary",),
        ),
    )


def kernel(pred, target):
    B, C = pred.shape
    pred_flat = pred.reshape(-1)
    vals = _sc_gather_build(B, C)(pred_flat, target.astype(jnp.int32))
    out = _tc_partial_build(B, C, B)(*([pred] * NSPLIT), vals.reshape(B, 1))
    return out[0, 0]

# --- scband reference (transcript-rebuilt; emitter-appended) ---
"""Pipeline reference for scband-dynamic-topk-soft-cross-entropy-27487790694466 (READ-ONLY COPY).

The authoritative reference and input builder live on the scoring server;
editing this copy changes nothing except your own understanding.
"""

import jax, jax.numpy as jnp
import numpy as np

CLS = 100000
SMOOTHING = 0.1
CONFIDENCE = 1.0 - SMOOTHING
K_FRAC = 1.0  # initial self.k


def setup_inputs(seed: int = 0) -> dict:
    key = jax.random.key(seed)
    k1, k2 = jax.random.split(key)
    pred = jax.random.normal(k1, (1024, CLS), dtype=jnp.float32)
    target = jax.random.randint(k2, (1024,), 0, CLS, dtype=jnp.int64 if jax.config.jax_enable_x64 else jnp.int32).astype(jnp.int32)
    return {"pred": pred, "target": target}


def reference(pred, target):
    logp = jax.nn.log_softmax(pred, axis=-1)
    # true_dist built under no_grad: constant w.r.t. pred
    true_dist = jnp.full(logp.shape, SMOOTHING / (CLS - 1), dtype=logp.dtype)
    rows = jnp.arange(pred.shape[0])
    true_dist = true_dist.at[rows, target].set(CONFIDENCE)
    true_dist = jax.lax.stop_gradient(true_dist)
    loss = jnp.sum(-true_dist * logp, axis=-1)
    k = int(loss.shape[0] * K_FRAC)
    res, _ = jax.lax.top_k(loss, k)
    return jnp.mean(res)

if __name__ == "__main__":
    import jax
    _d = setup_inputs()
    print(jax.jit(kernel)(*tuple(_d.values())))

</pallas_src>

<mosaic_0001>
#map = affine_map<(d0, d1) -> (0)>
module attributes {stable_mosaic.version = 14 : i64} {
  func.func @gather_k(%arg0: i32, %arg1: i32, %arg2: memref<102400000xf32, #tpu.memory_space<hbm>>, %arg3: memref<1024xi32, #tpu.memory_space<hbm>>, %arg4: memref<1024xf32, #tpu.memory_space<hbm>>, %arg5: memref<32xi32, #tpu.memory_space<vmem>>, %arg6: memref<32xf32, #tpu.memory_space<vmem>>, %arg7: memref<!tpu.dma_semaphore, #tpu.memory_space<semaphore_mem>>) attributes {dimension_semantics = [#tpu.dimension_semantics<core_parallel>, #tpu.dimension_semantics<subcore_parallel>], iteration_bounds = array<i64: 2, 16>, scalar_prefetch = 0 : i64, scratch_operands = 3 : i64, tpu.core_type = #tpu.core_type<sc_vector_subcore>, window_params = [{transform_indices = #map}, {transform_indices = #map}, {transform_indices = #map}]} {
    %mul3A = arith.constant 2 : i32
    %mul3A_0 = arith.muli %arg1, %mul3A : i32
    %add3A = arith.addi %mul3A_0, %arg0 : i32
    %mul3A_1 = arith.constant 32 : i32
    %mul3A_2 = arith.muli %add3A, %mul3A_1 : i32
    "tpu.region"() ({
      %run_scoped3A = tpu.sem_alloc : memref<!tpu.dma_semaphore, #tpu.memory_space<semaphore_mem>>
      %dma_start3A_34 = tpu.memref_slice %arg3[%mul3A_2] : memref<1024xi32, #tpu.memory_space<hbm>> -> memref<32xi32, #tpu.memory_space<hbm>>
      %dma_start3A_35 = tpu.memref_slice %arg3[%mul3A_2] : memref<1024xi32, #tpu.memory_space<hbm>> -> memref<32xi32, #tpu.memory_space<hbm>>
      tpu.enqueue_dma source(%dma_start3A_35 : memref<32xi32, #tpu.memory_space<hbm>>) target(%arg5 : memref<32xi32, #tpu.memory_space<vmem>>) target_semaphore(%run_scoped3A : memref<!tpu.dma_semaphore, #tpu.memory_space<semaphore_mem>>)
      %dma_wait3A_36 = tpu.memref_slice %arg3[%mul3A_2] : memref<1024xi32, #tpu.memory_space<hbm>> -> memref<32xi32, #tpu.memory_space<hbm>>
      %dma_wait3A_37 = tpu.memref_slice %arg3[%mul3A_2] : memref<1024xi32, #tpu.memory_space<hbm>> -> memref<32xi32, #tpu.memory_space<hbm>>
      tpu.wait_dma2 semaphore(%run_scoped3A : memref<!tpu.dma_semaphore, #tpu.memory_space<semaphore_mem>>) src(%dma_wait3A_37 : memref<32xi32, #tpu.memory_space<hbm>>) dst(%arg5 : memref<32xi32, #tpu.memory_space<vmem>>)
      tpu.yield
    }) : () -> ()
    %get3A = arith.constant 0 : index
    %get3A_3 = tpu.vector_load %arg5[%get3A] {strides = array<i32>} : memref<32xi32, #tpu.memory_space<vmem>>, vector<16xi32>,
    %get3A_4 = vector.shape_cast %get3A_3 : vector<16xi32> to vector<16xi32>
    %add3A_5 = arith.constant 0 : i32
    %add3A_6 = arith.addi %mul3A_2, %add3A_5 : i32
    %iota3A = tpu.iota {dimensions = array<i32: 0>} : vector<16xi32>
    %add3A_7 = vector.broadcast %add3A_6 : i32 to vector<16xi32>
    %add3A_8 = arith.addi %add3A_7, %iota3A : vector<16xi32>
    %mul3A_9 = arith.constant 100000 : i32
    %mul3A_10 = vector.broadcast %mul3A_9 : i32 to vector<16xi32>
    %mul3A_11 = arith.muli %add3A_8, %mul3A_10 : vector<16xi32>
    %add3A_12 = arith.addi %get3A_4, %mul3A_11 : vector<16xi32>
    %swap3A = arith.constant 0 : index
    %swap3A_13 = tpu.vector_load %arg5[%swap3A] {strides = array<i32>} : memref<32xi32, #tpu.memory_space<vmem>>, vector<16xi32>,
    %swap3A_14 = vector.shape_cast %swap3A_13 : vector<16xi32> to vector<16xi32>
    %swap3A_15 = vector.shape_cast %add3A_12 : vector<16xi32> to vector<16xi32>
    tpu.vector_store %arg5[%swap3A], %swap3A_15 {strides = array<i32>} : memref<32xi32, #tpu.memory_space<vmem>>, vector<16xi32>,
    %get3A_16 = arith.constant 16 : index
    %get3A_17 = tpu.vector_load %arg5[%get3A_16] {strides = array<i32>} : memref<32xi32, #tpu.memory_space<vmem>>, vector<16xi32>,
    %get3A_18 = vector.shape_cast %get3A_17 : vector<16xi32> to vector<16xi32>
    %add3A_19 = arith.constant 16 : i32
    %add3A_20 = arith.addi %mul3A_2, %add3A_19 : i32
    %iota3A_21 = tpu.iota {dimensions = array<i32: 0>} : vector<16xi32>
    %add3A_22 = vector.broadcast %add3A_20 : i32 to vector<16xi32>
    %add3A_23 = arith.addi %add3A_22, %iota3A_21 : vector<16xi32>
    %mul3A_24 = arith.constant 100000 : i32
    %mul3A_25 = vector.broadcast %mul3A_24 : i32 to vector<16xi32>
    %mul3A_26 = arith.muli %add3A_23, %mul3A_25 : vector<16xi32>
    %add3A_27 = arith.addi %get3A_18, %mul3A_26 : vector<16xi32>
    %swap3A_28 = arith.constant 16 : index
    %swap3A_29 = tpu.vector_load %arg5[%swap3A_28] {strides = array<i32>} : memref<32xi32, #tpu.memory_space<vmem>>, vector<16xi32>,
    %swap3A_30 = vector.shape_cast %swap3A_29 : vector<16xi32> to vector<16xi32>
    %swap3A_31 = vector.shape_cast %add3A_27 : vector<16xi32> to vector<16xi32>
    tpu.vector_store %arg5[%swap3A_28], %swap3A_31 {strides = array<i32>} : memref<32xi32, #tpu.memory_space<vmem>>, vector<16xi32>,
    %dma_start3A = arith.constant 0 : i32
    %dma_start3A_32 = tpu.memref_slice %arg2[%dma_start3A] : memref<102400000xf32, #tpu.memory_space<hbm>> -> memref<102400000xf32, #tpu.memory_space<hbm>>
    tpu.enqueue_indirect_dma source(%dma_start3A_32 : memref<102400000xf32, #tpu.memory_space<hbm>>) target(%arg6 : memref<32xf32, #tpu.memory_space<vmem>>) offsets(%arg5 : memref<32xi32, #tpu.memory_space<vmem>>) semaphore(%arg7 : memref<!tpu.dma_semaphore, #tpu.memory_space<semaphore_mem>>)
    %dma_wait3A = arith.constant 0 : i32
    %dma_wait3A_33 = tpu.memref_slice %arg2[%dma_wait3A] : memref<102400000xf32, #tpu.memory_space<hbm>> -> memref<102400000xf32, #tpu.memory_space<hbm>>
    tpu.wait_indirect_dma semaphore(%arg7 : memref<!tpu.dma_semaphore, #tpu.memory_space<semaphore_mem>>) src(%dma_wait3A_33 : memref<102400000xf32, #tpu.memory_space<hbm>>) dst(%arg6 : memref<32xf32, #tpu.memory_space<vmem>>)
    "tpu.region"() ({
      %run_scoped3A = tpu.sem_alloc : memref<!tpu.dma_semaphore, #tpu.memory_space<semaphore_mem>>
      %dma_start3A_34 = tpu.memref_slice %arg4[%mul3A_2] : memref<1024xf32, #tpu.memory_space<hbm>> -> memref<32xf32, #tpu.memory_space<hbm>>
      %dma_start3A_35 = tpu.memref_slice %arg4[%mul3A_2] : memref<1024xf32, #tpu.memory_space<hbm>> -> memref<32xf32, #tpu.memory_space<hbm>>
      tpu.enqueue_dma source(%arg6 : memref<32xf32, #tpu.memory_space<vmem>>) target(%dma_start3A_35 : memref<32xf32, #tpu.memory_space<hbm>>) target_semaphore(%run_scoped3A : memref<!tpu.dma_semaphore, #tpu.memory_space<semaphore_mem>>)
      %dma_wait3A_36 = tpu.memref_slice %arg4[%mul3A_2] : memref<1024xf32, #tpu.memory_space<hbm>> -> memref<32xf32, #tpu.memory_space<hbm>>
      %dma_wait3A_37 = tpu.memref_slice %arg4[%mul3A_2] : memref<1024xf32, #tpu.memory_space<hbm>> -> memref<32xf32, #tpu.memory_space<hbm>>
      tpu.wait_dma2 semaphore(%run_scoped3A : memref<!tpu.dma_semaphore, #tpu.memory_space<semaphore_mem>>) src(%arg6 : memref<32xf32, #tpu.memory_space<vmem>>) dst(%dma_wait3A_37 : memref<32xf32, #tpu.memory_space<hbm>>)
      tpu.yield
    }) : () -> ()
    return
  }
}

module attributes {stable_mosaic.version = 14 : i64} {
  func.func @body(%arg0: i32, %arg1: memref<32x12544xf32, #tpu.memory_space<vmem>>, %arg2: memref<32x12544xf32, #tpu.memory_space<vmem>>, %arg3: memref<32x12544xf32, #tpu.memory_space<vmem>>, %arg4: memref<32x12544xf32, #tpu.memory_space<vmem>>, %arg5: memref<32x12544xf32, #tpu.memory_space<vmem>>, %arg6: memref<32x12544xf32, #tpu.memory_space<vmem>>, %arg7: memref<32x12544xf32, #tpu.memory_space<vmem>>, %arg8: memref<32x12544xf32, #tpu.memory_space<vmem>>, %arg9: memref<32x1xf32, #tpu.memory_space<vmem>>, %arg10: memref<1x1xf32, #tpu.memory_space<vmem>>, %arg11: memref<1x1xf32, #tpu.memory_space<vmem>>) attributes {dimension_semantics = [#tpu.dimension_semantics<arbitrary>], iteration_bounds = array<i64: 32>, scalar_prefetch = 0 : i64, scratch_operands = 1 : i64, tpu.core_type = #tpu.core_type<tc>, window_params = [{transform_indices = @transform_0, window_bounds = array<i64: 32, 12544>}, {transform_indices = @transform_1, window_bounds = array<i64: 32, 12544>}, {transform_indices = @transform_2, window_bounds = array<i64: 32, 12544>}, {transform_indices = @transform_3, window_bounds = array<i64: 32, 12544>}, {transform_indices = @transform_4, window_bounds = array<i64: 32, 12544>}, {transform_indices = @transform_5, window_bounds = array<i64: 32, 12544>}, {transform_indices = @transform_6, window_bounds = array<i64: 32, 12544>}, {transform_indices = @transform_7, window_bounds = array<i64: 32, 12544>}, {transform_indices = @transform_8, window_bounds = array<i64: 32, 1>}, {pipeline_mode = #tpu.pipeline_mode<synchronous>, transform_indices = @transform_9, window_bounds = array<i64: 1, 1>}]} {
    %eq3A = arith.constant 0 : i32
    %eq3A_0 = arith.cmpi eq, %arg0, %eq3A : i32
    %convert_element_type3A = arith.extui %eq3A_0 : i1 to i32
    %cond3A = arith.constant 0 : i32
    %cond3A_1 = arith.cmpi ne, %convert_element_type3A, %cond3A : i32
    scf.if %cond3A_1 {
      %broadcast_in_dim3A_179 = arith.constant 0.000000e+00 : f32
      %broadcast_in_dim3A_180 = vector.broadcast %broadcast_in_dim3A_179 : f32 to vector<1x1xf32>
      %swap3A_181 = arith.constant 0 : index
      %swap3A_182 = arith.constant 0 : index
      %swap3A_183 = vector.load %arg11[%swap3A_181, %swap3A_182] : memref<1x1xf32, #tpu.memory_space<vmem>>, vector<1x1xf32>
      tpu.vector_store %arg11[%swap3A_181, %swap3A_182], %broadcast_in_dim3A_180 {strides = array<i32>} : memref<1x1xf32, #tpu.memory_space<vmem>>, vector<1x1xf32>,
    } else {
    }
    %get3A = arith.constant 0 : index
    %get3A_2 = arith.constant 0 : index
    %get3A_3 = vector.load %arg1[%get3A, %get3A_2] : memref<32x12544xf32, #tpu.memory_space<vmem>>, vector<32x12544xf32>
    %get3A_4 = arith.constant 0 : index
    %get3A_5 = arith.constant 0 : index
    %get3A_6 = vector.load %arg2[%get3A_4, %get3A_5] : memref<32x12544xf32, #tpu.memory_space<vmem>>, vector<32x12544xf32>
    %get3A_7 = arith.constant 0 : index
    %get3A_8 = arith.constant 0 : index
    %get3A_9 = vector.load %arg3[%get3A_7, %get3A_8] : memref<32x12544xf32, #tpu.memory_space<vmem>>, vector<32x12544xf32>
    %get3A_10 = arith.constant 0 : index
    %get3A_11 = arith.constant 0 : index
    %get3A_12 = vector.load %arg4[%get3A_10, %get3A_11] : memref<32x12544xf32, #tpu.memory_space<vmem>>, vector<32x12544xf32>
    %get3A_13 = arith.constant 0 : index
    %get3A_14 = arith.constant 0 : index
    %get3A_15 = vector.load %arg5[%get3A_13, %get3A_14] : memref<32x12544xf32, #tpu.memory_space<vmem>>, vector<32x12544xf32>
    %get3A_16 = arith.constant 0 : index
    %get3A_17 = arith.constant 0 : index
    %get3A_18 = vector.load %arg6[%get3A_16, %get3A_17] : memref<32x12544xf32, #tpu.memory_space<vmem>>, vector<32x12544xf32>
    %get3A_19 = arith.constant 0 : index
    %get3A_20 = arith.constant 0 : index
    %get3A_21 = vector.load %arg7[%get3A_19, %get3A_20] : memref<32x12544xf32, #tpu.memory_space<vmem>>, vector<32x12544xf32>
    %get3A_22 = arith.constant 0 : index
    %get3A_23 = arith.constant 0 : index
    %get3A_24 = vector.load %arg8[%get3A_22, %get3A_23] : memref<32x12544xf32, #tpu.memory_space<vmem>>, vector<32x12544xf32>
    %iota3A = tpu.iota {dimensions = array<i32: 1>} : vector<32x12544xi32>
    %lt3A = arith.constant 12192 : i32
    %lt3A_25 = vector.broadcast %lt3A : i32 to vector<32x12544xi32>
    %lt3A_26 = arith.cmpi slt, %iota3A, %lt3A_25 : vector<32x12544xi32>
    %jit3A = arith.constant 0.000000e+00 : f32
    %broadcast_in_dim3A = vector.broadcast %jit3A : f32 to vector<32x12544xf32>
    %select_n3A = arith.select %lt3A_26, %get3A_24, %broadcast_in_dim3A : vector<32x12544xi1>, vector<32x12544xf32>
    %jit3A_27 = arith.constant 0xFF800000 : f32
    %broadcast_in_dim3A_28 = vector.broadcast %jit3A_27 : f32 to vector<32x12544xf32>
    %select_n3A_29 = arith.select %lt3A_26, %get3A_24, %broadcast_in_dim3A_28 : vector<32x12544xi1>, vector<32x12544xf32>
    %reduce_max3A = arith.constant dense<0xFF800000> : vector<32xf32>
    %reduce_max3A_30 = vector.multi_reduction <maximumf>, %get3A_3, %reduce_max3A [1] : vector<32x12544xf32> to vector<32xf32>
    %broadcast_in_dim3A_31 = vector.shape_cast %reduce_max3A_30 : vector<32xf32> to vector<32x1xf32>
    %reduce_max3A_32 = arith.constant dense<0xFF800000> : vector<32xf32>
    %reduce_max3A_33 = vector.multi_reduction <maximumf>, %get3A_6, %reduce_max3A_32 [1] : vector<32x12544xf32> to vector<32xf32>
    %broadcast_in_dim3A_34 = vector.shape_cast %reduce_max3A_33 : vector<32xf32> to vector<32x1xf32>
    %reduce_max3A_35 = arith.constant dense<0xFF800000> : vector<32xf32>
    %reduce_max3A_36 = vector.multi_reduction <maximumf>, %get3A_9, %reduce_max3A_35 [1] : vector<32x12544xf32> to vector<32xf32>
    %broadcast_in_dim3A_37 = vector.shape_cast %reduce_max3A_36 : vector<32xf32> to vector<32x1xf32>
    %reduce_max3A_38 = arith.constant dense<0xFF800000> : vector<32xf32>
    %reduce_max3A_39 = vector.multi_reduction <maximumf>, %get3A_12, %reduce_max3A_38 [1] : vector<32x12544xf32> to vector<32xf32>
    %broadcast_in_dim3A_40 = vector.shape_cast %reduce_max3A_39 : vector<32xf32> to vector<32x1xf32>
    %reduce_max3A_41 = arith.constant dense<0xFF800000> : vector<32xf32>
    %reduce_max3A_42 = vector.multi_reduction <maximumf>, %get3A_15, %reduce_max3A_41 [1] : vector<32x12544xf32> to vector<32xf32>
    %broadcast_in_dim3A_43 = vector.shape_cast %reduce_max3A_42 : vector<32xf32> to vector<32x1xf32>
    %reduce_max3A_44 = arith.constant dense<0xFF800000> : vector<32xf32>
    %reduce_max3A_45 = vector.multi_reduction <maximumf>, %get3A_18, %reduce_max3A_44 [1] : vector<32x12544xf32> to vector<32xf32>
    %broadcast_in_dim3A_46 = vector.shape_cast %reduce_max3A_45 : vector<32xf32> to vector<32x1xf32>
    %reduce_max3A_47 = arith.constant dense<0xFF800000> : vector<32xf32>
    %reduce_max3A_48 = vector.multi_reduction <maximumf>, %get3A_21, %reduce_max3A_47 [1] : vector<32x12544xf32> to vector<32xf32>
    %broadcast_in_dim3A_49 = vector.shape_cast %reduce_max3A_48 : vector<32xf32> to vector<32x1xf32>
    %reduce_max3A_50 = arith.constant dense<0xFF800000> : vector<32xf32>
    %reduce_max3A_51 = vector.multi_reduction <maximumf>, %select_n3A_29, %reduce_max3A_50 [1] : vector<32x12544xf32> to vector<32xf32>
    %broadcast_in_dim3A_52 = vector.shape_cast %reduce_max3A_51 : vector<32xf32> to vector<32x1xf32>
    %max3A = arith.maximumf %broadcast_in_dim3A_31, %broadcast_in_dim3A_34 : vector<32x1xf32>
    %max3A_53 = arith.maximumf %max3A, %broadcast_in_dim3A_37 : vector<32x1xf32>
    %max3A_54 = arith.maximumf %max3A_53, %broadcast_in_dim3A_40 : vector<32x1xf32>
    %max3A_55 = arith.maximumf %max3A_54, %broadcast_in_dim3A_43 : vector<32x1xf32>
    %max3A_56 = arith.maximumf %max3A_55, %broadcast_in_dim3A_46 : vector<32x1xf32>
    %max3A_57 = arith.maximumf %max3A_56, %broadcast_in_dim3A_49 : vector<32x1xf32>
    %max3A_58 = arith.maximumf %max3A_57, %broadcast_in_dim3A_52 : vector<32x1xf32>
    %broadcast_in_dim3A_59 = arith.constant 0.000000e+00 : f32
    %broadcast_in_dim3A_60 = vector.broadcast %broadcast_in_dim3A_59 : f32 to vector<32x1xf32>
    %broadcast_in_dim3A_61 = arith.constant 0.000000e+00 : f32
    %broadcast_in_dim3A_62 = vector.broadcast %broadcast_in_dim3A_61 : f32 to vector<32x1xf32>
    %sub3A = vector.broadcast %max3A_58 : vector<32x1xf32> to vector<32x12544xf32>
    %sub3A_63 = arith.subf %get3A_3, %sub3A : vector<32x12544xf32>
    %exp3A = math.exp %sub3A_63 : vector<32x12544xf32>
    %reduce_sum3A = arith.constant dense<0.000000e+00> : vector<32xf32>
    %reduce_sum3A_64 = vector.multi_reduction <add>, %exp3A, %reduce_sum3A [1] : vector<32x12544xf32> to vector<32xf32>
    %broadcast_in_dim3A_65 = vector.shape_cast %reduce_sum3A_64 : vector<32xf32> to vector<32x1xf32>
    %add3A = arith.addf %broadcast_in_dim3A_60, %broadcast_in_dim3A_65 : vector<32x1xf32>
    %reduce_sum3A_66 = arith.constant dense<0.000000e+00> : vector<32xf32>
    %reduce_sum3A_67 = vector.multi_reduction <add>, %get3A_3, %reduce_sum3A_66 [1] : vector<32x12544xf32> to vector<32xf32>
    %broadcast_in_dim3A_68 = vector.shape_cast %reduce_sum3A_67 : vector<32xf32> to vector<32x1xf32>
    %add3A_69 = arith.addf %broadcast_in_dim3A_62, %broadcast_in_dim3A_68 : vector<32x1xf32>
    %sub3A_70 = vector.broadcast %max3A_58 : vector<32x1xf32> to vector<32x12544xf32>
    %sub3A_71 = arith.subf %get3A_6, %sub3A_70 : vector<32x12544xf32>
    %exp3A_72 = math.exp %sub3A_71 : vector<32x12544xf32>
    %reduce_sum3A_73 = arith.constant dense<0.000000e+00> : vector<32xf32>
    %reduce_sum3A_74 = vector.multi_reduction <add>, %exp3A_72, %reduce_sum3A_73 [1] : vector<32x12544xf32> to vector<32xf32>
    %broadcast_in_dim3A_75 = vector.shape_cast %reduce_sum3A_74 : vector<32xf32> to vector<32x1xf32>
    %add3A_76 = arith.addf %add3A, %broadcast_in_dim3A_75 : vector<32x1xf32>
    %reduce_sum3A_77 = arith.constant dense<0.000000e+00> : vector<32xf32>
    %reduce_sum3A_78 = vector.multi_reduction <add>, %get3A_6, %reduce_sum3A_77 [1] : vector<32x12544xf32> to vector<32xf32>
    %broadcast_in_dim3A_79 = vector.shape_cast %reduce_sum3A_78 : vector<32xf32> to vector<32x1xf32>
    %add3A_80 = arith.addf %add3A_69, %broadcast_in_dim3A_79 : vector<32x1xf32>
    %sub3A_81 = vector.broadcast %max3A_58 : vector<32x1xf32> to vector<32x12544xf32>
    %sub3A_82 = arith.subf %get3A_9, %sub3A_81 : vector<32x12544xf32>
    %exp3A_83 = math.exp %sub3A_82 : vector<32x12544xf32>
    %reduce_sum3A_84 = arith.constant dense<0.000000e+00> : vector<32xf32>
    %reduce_sum3A_85 = vector.multi_reduction <add>, %exp3A_83, %reduce_sum3A_84 [1] : vector<32x12544xf32> to vector<32xf32>
    %broadcast_in_dim3A_86 = vector.shape_cast %reduce_sum3A_85 : vector<32xf32> to vector<32x1xf32>
    %add3A_87 = arith.addf %add3A_76, %broadcast_in_dim3A_86 : vector<32x1xf32>
    %reduce_sum3A_88 = arith.constant dense<0.000000e+00> : vector<32xf32>
    %reduce_sum3A_89 = vector.multi_reduction <add>, %get3A_9, %reduce_sum3A_88 [1] : vector<32x12544xf32> to vector<32xf32>
    %broadcast_in_dim3A_90 = vector.shape_cast %reduce_sum3A_89 : vector<32xf32> to vector<32x1xf32>
    %add3A_91 = arith.addf %add3A_80, %broadcast_in_dim3A_90 : vector<32x1xf32>
    %sub3A_92 = vector.broadcast %max3A_58 : vector<32x1xf32> to vector<32x12544xf32>
    %sub3A_93 = arith.subf %get3A_12, %sub3A_92 : vector<32x12544xf32>
    %exp3A_94 = math.exp %sub3A_93 : vector<32x12544xf32>
    %reduce_sum3A_95 = arith.constant dense<0.000000e+00> : vector<32xf32>
    %reduce_sum3A_96 = vector.multi_reduction <add>, %exp3A_94, %reduce_sum3A_95 [1] : vector<32x12544xf32> to vector<32xf32>
    %broadcast_in_dim3A_97 = vector.shape_cast %reduce_sum3A_96 : vector<32xf32> to vector<32x1xf32>
    %add3A_98 = arith.addf %add3A_87, %broadcast_in_dim3A_97 : vector<32x1xf32>
    %reduce_sum3A_99 = arith.constant dense<0.000000e+00> : vector<32xf32>
    %reduce_sum3A_100 = vector.multi_reduction <add>, %get3A_12, %reduce_sum3A_99 [1] : vector<32x12544xf32> to vector<32xf32>
    %broadcast_in_dim3A_101 = vector.shape_cast %reduce_sum3A_100 : vector<32xf32> to vector<32x1xf32>
    %add3A_102 = arith.addf %add3A_91, %broadcast_in_dim3A_101 : vector<32x1xf32>
    %sub3A_103 = vector.broadcast %max3A_58 : vector<32x1xf32> to vector<32x12544xf32>
    %sub3A_104 = arith.subf %get3A_15, %sub3A_103 : vector<32x12544xf32>
    %exp3A_105 = math.exp %sub3A_104 : vector<32x12544xf32>
    %reduce_sum3A_106 = arith.constant dense<0.000000e+00> : vector<32xf32>
    %reduce_sum3A_107 = vector.multi_reduction <add>, %exp3A_105, %reduce_sum3A_106 [1] : vector<32x12544xf32> to vector<32xf32>
    %broadcast_in_dim3A_108 = vector.shape_cast %reduce_sum3A_107 : vector<32xf32> to vector<32x1xf32>
    %add3A_109 = arith.addf %add3A_98, %broadcast_in_dim3A_108 : vector<32x1xf32>
    %reduce_sum3A_110 = arith.constant dense<0.000000e+00> : vector<32xf32>
    %reduce_sum3A_111 = vector.multi_reduction <add>, %get3A_15, %reduce_sum3A_110 [1] : vector<32x12544xf32> to vector<32xf32>
    %broadcast_in_dim3A_112 = vector.shape_cast %reduce_sum3A_111 : vector<32xf32> to vector<32x1xf32>
    %add3A_113 = arith.addf %add3A_102, %broadcast_in_dim3A_112 : vector<32x1xf32>
    %sub3A_114 = vector.broadcast %max3A_58 : vector<32x1xf32> to vector<32x12544xf32>
    %sub3A_115 = arith.subf %get3A_18, %sub3A_114 : vector<32x12544xf32>
    %exp3A_116 = math.exp %sub3A_115 : vector<32x12544xf32>
    %reduce_sum3A_117 = arith.constant dense<0.000000e+00> : vector<32xf32>
    %reduce_sum3A_118 = vector.multi_reduction <add>, %exp3A_116, %reduce_sum3A_117 [1] : vector<32x12544xf32> to vector<32xf32>
    %broadcast_in_dim3A_119 = vector.shape_cast %reduce_sum3A_118 : vector<32xf32> to vector<32x1xf32>
    %add3A_120 = arith.addf %add3A_109, %broadcast_in_dim3A_119 : vector<32x1xf32>
    %reduce_sum3A_121 = arith.constant dense<0.000000e+00> : vector<32xf32>
    %reduce_sum3A_122 = vector.multi_reduction <add>, %get3A_18, %reduce_sum3A_121 [1] : vector<32x12544xf32> to vector<32xf32>
    %broadcast_in_dim3A_123 = vector.shape_cast %reduce_sum3A_122 : vector<32xf32> to vector<32x1xf32>
    %add3A_124 = arith.addf %add3A_113, %broadcast_in_dim3A_123 : vector<32x1xf32>
    %sub3A_125 = vector.broadcast %max3A_58 : vector<32x1xf32> to vector<32x12544xf32>
    %sub3A_126 = arith.subf %get3A_21, %sub3A_125 : vector<32x12544xf32>
    %exp3A_127 = math.exp %sub3A_126 : vector<32x12544xf32>
    %reduce_sum3A_128 = arith.constant dense<0.000000e+00> : vector<32xf32>
    %reduce_sum3A_129 = vector.multi_reduction <add>, %exp3A_127, %reduce_sum3A_128 [1] : vector<32x12544xf32> to vector<32xf32>
    %broadcast_in_dim3A_130 = vector.shape_cast %reduce_sum3A_129 : vector<32xf32> to vector<32x1xf32>
    %add3A_131 = arith.addf %add3A_120, %broadcast_in_dim3A_130 : vector<32x1xf32>
    %reduce_sum3A_132 = arith.constant dense<0.000000e+00> : vector<32xf32>
    %reduce_sum3A_133 = vector.multi_reduction <add>, %get3A_21, %reduce_sum3A_132 [1] : vector<32x12544xf32> to vector<32xf32>
    %broadcast_in_dim3A_134 = vector.shape_cast %reduce_sum3A_133 : vector<32xf32> to vector<32x1xf32>
    %add3A_135 = arith.addf %add3A_124, %broadcast_in_dim3A_134 : vector<32x1xf32>
    %sub3A_136 = vector.broadcast %max3A_58 : vector<32x1xf32> to vector<32x12544xf32>
    %sub3A_137 = arith.subf %select_n3A_29, %sub3A_136 : vector<32x12544xf32>
    %exp3A_138 = math.exp %sub3A_137 : vector<32x12544xf32>
    %reduce_sum3A_139 = arith.constant dense<0.000000e+00> : vector<32xf32>
    %reduce_sum3A_140 = vector.multi_reduction <add>, %exp3A_138, %reduce_sum3A_139 [1] : vector<32x12544xf32> to vector<32xf32>
    %broadcast_in_dim3A_141 = vector.shape_cast %reduce_sum3A_140 : vector<32xf32> to vector<32x1xf32>
    %add3A_142 = arith.addf %add3A_131, %broadcast_in_dim3A_141 : vector<32x1xf32>
    %reduce_sum3A_143 = arith.constant dense<0.000000e+00> : vector<32xf32>
    %reduce_sum3A_144 = vector.multi_reduction <add>, %select_n3A, %reduce_sum3A_143 [1] : vector<32x12544xf32> to vector<32xf32>
    %broadcast_in_dim3A_145 = vector.shape_cast %reduce_sum3A_144 : vector<32xf32> to vector<32x1xf32>
    %add3A_146 = arith.addf %add3A_135, %broadcast_in_dim3A_145 : vector<32x1xf32>
    %log3A = math.log %add3A_142 : vector<32x1xf32>
    %add3A_147 = arith.addf %max3A_58, %log3A : vector<32x1xf32>
    %mul3A = arith.constant 1.000000e+05 : f32
    %mul3A_148 = vector.broadcast %mul3A : f32 to vector<32x1xf32>
    %mul3A_149 = arith.mulf %mul3A_148, %add3A_147 : vector<32x1xf32>
    %sub3A_150 = arith.subf %mul3A_149, %add3A_146 : vector<32x1xf32>
    %mul3A_151 = arith.constant 1.000010e-06 : f32
    %mul3A_152 = vector.broadcast %mul3A_151 : f32 to vector<32x1xf32>
    %mul3A_153 = arith.mulf %mul3A_152, %sub3A_150 : vector<32x1xf32>
    %get3A_154 = arith.constant 0 : index
    %get3A_155 = arith.constant 0 : index
    %get3A_156 = vector.load %arg9[%get3A_154, %get3A_155] : memref<32x1xf32, #tpu.memory_space<vmem>>, vector<32x1xf32>
    %sub3A_157 = arith.subf %add3A_147, %get3A_156 : vector<32x1xf32>
    %mul3A_158 = arith.constant 8.999990e-01 : f32
    %mul3A_159 = vector.broadcast %mul3A_158 : f32 to vector<32x1xf32>
    %mul3A_160 = arith.mulf %mul3A_159, %sub3A_157 : vector<32x1xf32>
    %add3A_161 = arith.addf %mul3A_153, %mul3A_160 : vector<32x1xf32>
    %get3A_162 = arith.constant 0 : index
    %get3A_163 = arith.constant 0 : index
    %get3A_164 = vector.load %arg11[%get3A_162, %get3A_163] : memref<1x1xf32, #tpu.memory_space<vmem>>, vector<1x1xf32>
    %reduce_sum3A_165 = vector.shape_cast %add3A_161 : vector<32x1xf32> to vector<1x32x1xf32>
    %reduce_sum3A_166 = arith.constant dense<0.000000e+00> : vector<1xf32>
    %reduce_sum3A_167 = vector.multi_reduction <add>, %reduce_sum3A_165, %reduce_sum3A_166 [1, 2] : vector<1x32x1xf32> to vector<1xf32>
    %reduce_sum3A_168 = vector.shape_cast %reduce_sum3A_167 : vector<1xf32> to vector<1x1x1xf32>
    %reduce_sum3A_169 = vector.extract %reduce_sum3A_168[0, 0, 0] : f32 from vector<1x1x1xf32>
    %broadcast_in_dim3A_170 = vector.broadcast %reduce_sum3A_169 : f32 to vector<1x1xf32>
    %add3A_171 = arith.addf %get3A_164, %broadcast_in_dim3A_170 : vector<1x1xf32>
    %swap3A = arith.constant 0 : index
    %swap3A_172 = arith.constant 0 : index
    %swap3A_173 = vector.load %arg11[%swap3A, %swap3A_172] : memref<1x1xf32, #tpu.memory_space<vmem>>, vector<1x1xf32>
    tpu.vector_store %arg11[%swap3A, %swap3A_172], %add3A_171 {strides = array<i32>} : memref<1x1xf32, #tpu.memory_space<vmem>>, vector<1x1xf32>,
    %eq3A_174 = arith.constant 31 : i32
    %eq3A_175 = arith.cmpi eq, %arg0, %eq3A_174 : i32
    %convert_element_type3A_176 = arith.extui %eq3A_175 : i1 to i32
    %cond3A_177 = arith.constant 0 : i32
    %cond3A_178 = arith.cmpi ne, %convert_element_type3A_176, %cond3A_177 : i32
    scf.if %cond3A_178 {
      %get3A_179 = arith.constant 0 : index
      %get3A_180 = arith.constant 0 : index
      %get3A_181 = vector.load %arg11[%get3A_179, %get3A_180] : memref<1x1xf32, #tpu.memory_space<vmem>>, vector<1x1xf32>
      %mul3A_182 = arith.constant 9.765625E-4 : f32
      %mul3A_183 = vector.broadcast %mul3A_182 : f32 to vector<1x1xf32>
      %mul3A_184 = arith.mulf %get3A_181, %mul3A_183 : vector<1x1xf32>
      %swap3A_185 = arith.constant 0 : index
      %swap3A_186 = arith.constant 0 : index
      %swap3A_187 = vector.load %arg10[%swap3A_185, %swap3A_186] : memref<1x1xf32, #tpu.memory_space<vmem>>, vector<1x1xf32>
      tpu.vector_store %arg10[%swap3A_185, %swap3A_186], %mul3A_184 {strides = array<i32>} : memref<1x1xf32, #tpu.memory_space<vmem>>, vector<1x1xf32>,
    } else {
    }
    return
  }
  func.func @transform_0(%arg0: i32) -> (i32, i32) {
    %c0_i32 = arith.constant 0 : i32
    %c0_i32_0 = arith.constant 0 : i32
    return %arg0, %c0_i32 : i32, i32
  }
  func.func @transform_1(%arg0: i32) -> (i32, i32) {
    %c1_i32 = arith.constant 1 : i32
    %c0_i32 = arith.constant 0 : i32
    return %arg0, %c1_i32 : i32, i32
  }
  func.func @transform_2(%arg0: i32) -> (i32, i32) {
    %c2_i32 = arith.constant 2 : i32
    %c0_i32 = arith.constant 0 : i32
    return %arg0, %c2_i32 : i32, i32
  }
  func.func @transform_3(%arg0: i32) -> (i32, i32) {
    %c3_i32 = arith.constant 3 : i32
    %c0_i32 = arith.constant 0 : i32
    return %arg0, %c3_i32 : i32, i32
  }
  func.func @transform_4(%arg0: i32) -> (i32, i32) {
    %c4_i32 = arith.constant 4 : i32
    %c0_i32 = arith.constant 0 : i32
    return %arg0, %c4_i32 : i32, i32
  }
  func.func @transform_5(%arg0: i32) -> (i32, i32) {
    %c5_i32 = arith.constant 5 : i32
    %c0_i32 = arith.constant 0 : i32
    return %arg0, %c5_i32 : i32, i32
  }
  func.func @transform_6(%arg0: i32) -> (i32, i32) {
    %c6_i32 = arith.constant 6 : i32
    %c0_i32 = arith.constant 0 : i32
    return %arg0, %c6_i32 : i32, i32
  }
  func.func @transform_7(%arg0: i32) -> (i32, i32) {
    %c7_i32 = arith.constant 7 : i32
    %c0_i32 = arith.constant 0 : i32
    return %arg0, %c7_i32 : i32, i32
  }
  func.func @transform_8(%arg0: i32) -> (i32, i32) {
    %c0_i32 = arith.constant 0 : i32
    %c0_i32_0 = arith.constant 0 : i32
    return %arg0, %c0_i32 : i32, i32
  }
  func.func @transform_9(%arg0: i32) -> (i32, i32) {
    %c0_i32 = arith.constant 0 : i32
    %c0_i32_0 = arith.constant 0 : i32
    %c0_i32_1 = arith.constant 0 : i32
    return %c0_i32, %c0_i32_0 : i32, i32
  }
}

</mosaic_0001>

<sc_bundles>
// kernel: kernel.4.cloned.1.call-start
scs
__scs_entry_jumppad:
0x0: {  	(pc) =	sbr.rel $0x88, $3  }
0x1: {  	(tag) =	ssettag $0x0;
	lr =	simm.s32 $0x1  }
0x2: {  	[smem:$0x3F9F] =	sst lr;
	_ =	strace $0xD0000000  }
0x3: {  	_ = 	snop  }
0x4: {  	_ = 	snop  }
0x5: {  	_ = 	snop  }
0x6: {  	_ = 	snop  }
0x7: {  	_ = 	snop  }
__scs_overlays_trampoline_lowered:
0x8: {  	[smem:$0x3FAE] =	sst s0  }
0x9: {  	[smem:$0x3FAF] =	sst s1  }
0xa: {  	[smem:$0x3FB0] =	sst s2  }
0xb: {  	[smem:$0x3FB1] =	sst s3  }
0xc: {  	[smem:$0x3FB2] =	sst s4  }
0xd: {  	[smem:$0x3FB3] =	sst s5  }
0xe: {  	[smem:$0x3FB4] =	sst s6  }
0xf: {  	[smem:$0x3FB5] =	sst s7  }
0x10: {  	[smem:$0x3FB6] =	sst s8  }
0x11: {  	[smem:$0x3FB7] =	sst s9;
	s0 =	simm.s32 @!p0 $0x0  }
0x12: {  	s1 =	sld [smem:$0x3F9D];
	s0 =	simm.s32 @p0 $0x1  }
0x13: {  	[smem:$0x3FB8] =	sst s0;
	s0 =	simm.s32 @!p1 $0x0  }
0x14: {  	s2 =	sld [smem:$0x3F9C];
	s0 =	simm.s32 @p1 $0x1  }
0x15: {  	[smem:$0x3FB9] =	sst s0;
	s0 =	simm.s32 @!p2 $0x0  }
0x16: {  	s3 =	sld [smem:$0x3FDB];
	s0 =	simm.s32 @p2 $0x1  }
0x17: {  	s4 =	simm.s32 $0x1BF5;
	[smem:$0x3FBB] =	sst s0  }
0x18: {  	s0 =	sld [smem:$0x3F9E];
	_ =	swait.ge [sflag:s4], $0x0  }
0x19: {  	s7 =	sld [smem:$0x3F9F]  }
0x1a: {  	s8 =	sadd.s32 $0xFFFFE003, lr  }
0x1b: {  	s9 =	sadd.s32 $0xFFFFFEF7, lr;
	s5 =	simm.s32 $0xFFFFFFFF;
	p2 =	slt.u32 s8, $0xFFFFF086  }
0x1c: {  	p1 =	slt.u32 s9, $0xF7A;
	s5 =	simm.s32 @!p2 $0x0  }
0x1d: {  	s5 =	simm.s32 @p1 $0x1;
	p0 =	seq.s32 s7, s2  }
0x1e: {  	s7 =	smul.u32 @!p0 $0xF7A, s2;
	p2 =	seq.s32 @!p0 s5, $0x0  }
0x1f: {  	s9 =	smul.u32 $0xF7A, s1;
	s8 =	simm.s32 @!p0 $0x1BF5;
	p2 =	por !p2, p0  }
0x20: {  	[sflag:s8] =	ssyncset.s32 @!p0 $0xFFFFF086;
	s6 =	sadd.s32 @!p0 s3, s7;
	s7 =	simm.s32 @!p0 $0x108  }
0x21: {  	s3 =	sadd.s32 s3, s9;
	s6 =	sadd.s32 @!p0 $0x88, s6;
	s7 =	simm.s32 @p2 $0x1082  }
0x22: {  	[simem:s7], [sflag:s8] =	dma.local @!p0 [hbm:s6], $0xF7A  }
0x23: {  	s9 =	sor.u32 $0xD0000000, s2;
	s6 =	simm.s32 $0x108;
	_ =	swait.ge @!p0 [sflag:s8], $0x0  }
0x24: {  	s3 =	sadd.s32 $0x88, s3;
	s6 =	simm.s32 @!p1 $0x1082;
	[sflag:s4] =	ssyncset.s32 $0xFFFFF086  }
0x25: {  	[simem:s6], [sflag:s4] =	dma.local [hbm:s3], $0xF7A  }
0x26: {  	[smem:$0x3F9F] =	sst s1;
	(tag) =	ssettag s2;
	_ =	strace s9  }
0x27: {  	s1 =	sld [smem:$0x3FAF]  }
0x28: {  	s2 =	sld [smem:$0x3FB0]  }
0x29: {  	s4 =	sld [smem:$0x3FB2]  }
0x2a: {  	p0 =	seq.s32 s5, $0x0;
	s5 =	sld [smem:$0x3FB3]  }
0x2b: {  	s6 =	sld [smem:$0x3FB4]  }
0x2c: {  	s7 =	sld [smem:$0x3FB5]  }
0x2d: {  	s3 =	simm.s32 $0x108;
	s8 =	sld [smem:$0x3FB6]  }
0x2e: {  	s3 =	simm.s32 @!p0 $0x1082;
	s9 =	sld [smem:$0x3FB7]  }
0x2f: {  	lr =	sadd.s32 s0, s3;
	s0 =	sld [smem:$0x3FAE]  }
0x30: {  	s3 =	sld [smem:$0x3FB1]  }
0x31: {  	[smem:$0x3FBA] =	sst s10  }
0x32: {  	s10 =	sld [smem:$0x3FB8];
	_ =	sdelay $0x3  }
0x33: {  	p0 =	seq.s32 s10, $0x1;
	s10 =	sld [smem:$0x3FBA];
	_ =	sdelay $0x3  }
0x34: {  	[smem:$0x3FBA] =	sst s10  }
0x35: {  	s10 =	sld [smem:$0x3FB9];
	_ =	sdelay $0x3  }
0x36: {  	p1 =	seq.s32 s10, $0x1;
	s10 =	sld [smem:$0x3FBA];
	_ =	sdelay $0x3  }
0x37: {  	[smem:$0x3FBA] =	sst s10  }
0x38: {  	s10 =	sld [smem:$0x3FBB]  }
0x39: {  	_ = 	snop;
	(pc) =	sbr.ind lr, $3  }
0x3a: {  	_ = 	snop  }
0x3b: {  	_ = 	snop  }
0x3c: {  	p2 =	seq.s32 s10, $0x1;
	s10 =	sld [smem:$0x3FBA]  }
0x3d: {  	_ =	shalt  }
0x3e: {  	_ =	shalt  }
0x3f: {  	_ =	shalt  }
0x40: {  	_ =	shalt  }
0x41: {  	_ =	shalt  }
0x42: {  	_ =	shalt  }
0x43: {  	_ =	shalt  }
0x44: {  	_ =	shalt  }
0x45: {  	_ =	shalt  }
0x46: {  	_ =	shalt  }
0x47: {  	_ =	shalt  }
0x48: {  	_ =	shalt  }
0x49: {  	_ =	shalt  }
0x4a: {  	_ =	shalt  }
0x4b: {  	_ =	shalt  }
0x4c: {  	_ =	shalt  }
0x4d: {  	_ =	shalt  }
0x4e: {  	_ =	shalt  }
0x4f: {  	_ =	shalt  }
0x50: {  	_ =	shalt  }
0x51: {  	_ =	shalt  }
0x52: {  	_ =	shalt  }
0x53: {  	_ =	shalt  }
0x54: {  	_ =	shalt  }
0x55: {  	_ =	shalt  }
0x56: {  	_ =	shalt  }
0x57: {  	_ =	shalt  }
0x58: {  	_ =	shalt  }
0x59: {  	_ =	shalt  }
0x5a: {  	_ =	shalt  }
0x5b: {  	_ =	shalt  }
0x5c: {  	_ =	shalt  }
0x5d: {  	_ =	shalt  }
0x5e: {  	_ =	shalt  }
0x5f: {  	_ =	shalt  }
0x60: {  	_ =	shalt  }
0x61: {  	_ =	shalt  }
0x62: {  	_ =	shalt  }
0x63: {  	_ =	shalt  }
0x64: {  	_ =	shalt  }
0x65: {  	_ =	shalt  }
0x66: {  	_ =	shalt  }
0x67: {  	_ =	shalt  }
0x68: {  	_ =	shalt  }
0x69: {  	_ =	shalt  }
0x6a: {  	_ =	shalt  }
0x6b: {  	_ =	shalt  }
0x6c: {  	_ =	shalt  }
0x6d: {  	_ =	shalt  }
0x6e: {  	_ =	shalt  }
0x6f: {  	_ =	shalt  }
0x70: {  	_ =	shalt  }
0x71: {  	_ =	shalt  }
0x72: {  	_ =	shalt  }
0x73: {  	_ =	shalt  }
0x74: {  	_ =	shalt  }
0x75: {  	_ =	shalt  }
0x76: {  	_ =	shalt  }
0x77: {  	_ =	shalt  }
0x78: {  	_ =	shalt  }
0x79: {  	_ =	shalt  }
0x7a: {  	_ =	shalt  }
0x7b: {  	_ =	shalt  }
0x7c: {  	_ =	shalt  }
0x7d: {  	_ =	shalt  }
0x7e: {  	_ =	shalt  }
0x7f: {  	_ =	shalt  }
0x80: {  	_ =	shalt  }
0x81: {  	_ =	shalt  }
0x82: {  	_ =	shalt  }
0x83: {  	_ =	shalt  }
0x84: {  	_ =	shalt  }
0x85: {  	_ =	shalt  }
0x86: {  	_ =	shalt  }
0x87: {  	_ =	shalt  }
.Lfunc_end0:
.L_simem_size_0:
called_computation_lowered:
.L_overlay_start_0:
0x88: {  	s2 =	sld [smem:$0x3FD9]  }
0x89: {  	s3 =	sld [smem:$0x3FFE];
	_ =	sdelay $0x1  }
0x8a: {  	s1 =	srdreg.scid  }
0x8b: {  	s0 =	sand.u32 $0x1, s1  }
0x8c: {  	s17 =	sshll.u32 s0, $0xA;
	s2 =	sadd.s32 s3, s2  }
0x8d: {  	s2 =	sadd.s32 s2, s17  }
0x8e: {  	[smem:$0x3FC6] =	sst s2  }
0x8f: {  	_ = 	snop  }
0x90: {  	s2 =	sld [smem:$0x3FC8];
	(tm) =	ssettm $0x1  }
0x91: {  	s18 =	sld [smem:$0x3FFB];
	_ =	sdelay $0x3  }
0x92: {  	_ =	strace s18  }
0x93: {  	s3 =	sld [smem:$0x3FFC];
	_ =	sdelay $0x3  }
0x94: {  	_ =	strace s3  }
0x95: {  	s3 =	sld [smem:$0x3FFD];
	_ =	sdelay $0x3  }
0x96: {  	_ =	strace s3  }
0x97: {  	_ =	strace $0x8FFFFFFF  }
0x98: {  	s19 =	sld [smem:$0x3FDB];
	_ =	sdelay $0x1  }
0x99: {  	s4 =	simm.s32 $_scs_section_size  }
0x9a: {  	s5 =	simm.s32 $_size__tile_overlayer_lowered;
	s6 =	simm.s32 $_tile_overlayer_lowered  }
0x9b: {  	s22 =	simm.s32 $0x1BFF;
	s21 =	sshll.u32 s6, $0x1;
	s3 =	sadd.s32 s4, s19  }
0x9c: {  	s7 =	simm.s32 $0x0;
	s20 =	sshll.u32 s5, $0x1;
	s5 =	sadd.s32 s21, s3  }
0x9d: {  	[timem:s7], [sflag:s22] =	dma.local [hbm:s5], s20  }
0x9e: {  	_ =	swait.ge [sflag:s22], s20  }
0x9f: {  	s4 =	ssub.s32 $0x0, s20;
	[sflag:s22] =	ssyncset.done $0x0  }
0xa0: {  	[sflag:s22] =	ssyncadd.s32 s4;
	_ =	sdelay $0x1  }
0xa1: {  	s23 =	simm.s32 $0x1B8B  }
0xa2: {  	_ =	swait.ge [sflag:s23], $0x1  }
0xa3: {  	[sflag:s23] =	ssyncset.done $0x0  }
0xa4: {  	s25 =	simm.s32 $0x1B8E;
	s24 =	sld [smem:$0x3FFE];
	[sflag:s23] =	ssyncadd.s32 $0xFFFFFFFF  }
0xa5: {  	s26 =	simm.s32 $execute0_lowered;
	[smem:$0x3FD2] =	sst s25  }
0xa6: {  	s5 =	sshll.u32 s26, $0x1;
	_ =	strace $0x80000046;
	[dreg:$0x1] =	wrdreg $0xFFFFFFFF  }
0xa7: {  	s28 =	simm.s32 $_size_execute0_lowered;
	s3 =	sadd.s32 s3, s5;
	[dreg:$0x0] =	wrdreg $0x0  }
0xa8: {  	s5 =	sshll.u32 s28, $0x1;
	[dreg:$0x2] =	wrdreg s3  }
0xa9: {  	[dreg:$0x3] =	wrdreg s5  }
0xaa: {  	[dreg:$0x4] =	wrdreg $0xC0  }
0xab: {  	_ =	task [dreg:s7], $0x5FFFF  }
0xac: {  	[dreg:$0x1] =	wrdreg $0xFFFFFFFF  }
0xad: {  	[dreg:$0x0] =	wrdreg $0x60  }
0xae: {  	[dreg:$0x2] =	wrdreg s24  }
0xaf: {  	[dreg:$0x3] =	wrdreg s2  }
0xb0: {  	[dreg:$0x4] =	wrdreg $0x9  }
0xb1: {  	_ =	task.clear_ibuf [dreg:s7], $0x5FFFF;
	_ =	strace $0x90000046  }
0xb2: {  	s29 =	simm.s32 $0x9;
	_ =	strace $0x80000048  }
0xb3: {  	_ =	swait.ge [sflag:s29], $0x1  }
0xb4: {  	[sflag:s29] =	ssyncadd.s32 $0xFFFFFFFF  }
0xb5: {  	_ =	strace $0x90000048  }
0xb6: {  	_ =	sfence  }
0xb7: {  	s30 =	sld [smem:$0x0];
	_ =	sdelay $0x2  }
0xb8: {  	s31 =	sshll.u32 s1, $0xD;
	s1 =	sshrl.u32 s1, $0x2  }
0xb9: {  	s3 =	sand.u32 $0x4000, s31;
	s1 =	sadd.s32 s1, s30  }
0xba: {  	s0 =	sor.u32 s3, s0;
	s1 =	sshll.u32 s1, $0x11  }
0xbb: {  	s0 =	sor.u32 s1, s0  }
0xbc: {  	s0 =	sadd.s32 $0x8F2B, s0  }
0xbd: {  	[sflag:s0] =	ssyncadd.remote.s32 $0x1  }
0xbe: {  	_ =	sfence.sel $0xFFFF  }
0xbf: {  	[dreg:$0x0] =	wrdreg $0xFFFFFFFF;
	(pc) =	sbr.abs _section_cstart, $3  }
0xc0: {  	[dreg:$0x1] =	wrdreg $0xFFFFFFFF  }
0xc1: {  	_ =	task.clear_ibuf [dreg:s7], $0x2FFFF;
	_ =	strace $0x9FFFFFFF  }
0xc2: {  	(tm) =	ssettm $0x7FFFFFFF  }
0xc3: {  	_ =	shalt  }
tec
execute0_lowered:
.L_overlay_start_1:
0x0: {  	(tag) =	ssettag $0x1  }
0x1: {  	s1 =	srdreg.scid  }
0x2: {  	s9 =	rddreg [dreg:$0x0];
	s0 =	stileid.u32;
	s6 =	sand.u32 $0x1, s1  }
0x3: {  	s3 =	rddreg [dreg:$0x1];
	s4 =	sshll.u32 s0, $0x6;
	s5 =	sshll.u32 s6, $0x5  }
0x4: {  	s2 =	simm.s32 $0x0;
	s1 =	rddreg [dreg:$0x2];
	s5 =	sor.u32 s5, s4  }
0x5: {  	[smem:$0x7FF] =	sst s2;
	s10 =	sshrl.u32 s5, $0x3  }
0x6: {  	_ =	strace $0x80000047;
	s4 =	sadd.s32 s3, s10;
	s3 =	simm.s32 $0x2  }
0x7: {  	[tilespmem:s2], [sflag:$0x2] =	stream.linear.gather [hbm4b:s4+s2], $0x20, $0x38;
	[tilespmem:$0x100] =	vst v63  }
0x8: {  	_ =	swait.ge [sflag:s3], $0x20  }
0x9: {  	[sflag:s3] =	ssyncset.done $0x0  }
0xa: {  	v0 =	vmov s5;
	s5 =	sor.u32 $0x10, s5;
	[sflag:s3] =	ssyncadd.s32 $0xFFFFFFE0  }
0xb: {  	v0 =	vmul.u32 $0x186A0, v0;
	v1 =	vmov s5;
	v2 =	vld [tilespmem:$0x0]  }
0xc: {  	v3 =	vlaneseq.u32;
	v1 =	vmul.u32 $0x186A0, v1;
	v4 =	vld [tilespmem:$0x10]  }
0xd: {  	v3 =	vmul.u32 $0x186A0, v3;
	v0 =	vbroadcast v0, $0x0  }
0xe: {  	s11 =	ssub.s32 $0x2, s6;
	v1 =	vbroadcast v1, $0x0  }
0xf: {  	s12 =	sshrl.u32 s11, $0x1;
	v0 =	vadd.s32 v3, v0  }
0x10: {  	s7 =	simm.s32 $0x80;
	s31 =	ssub.s32 s11, s12;
	v1 =	vadd.s32 v3, v1;
	v2 =	vadd.s32 v2, v0  }
0x11: {  	s5 =	sadd.s32 $0xC38400, s9;
	s9 =	sadd.s32 s10, s9;
	s10 =	smax.u32 s31, $0x1;
	[tilespmem:$0x0] =	vst v2;
	v2 =	vadd.s32 v4, v1  }
0x12: {  	s8 =	simm.s32 $0x1;
	s6 =	simm.s32 $0x20;
	p0 =	sne.s32 s10, $0x1;
	[tilespmem:$0x10] =	vst v2  }
0x13: {  	[tilespmem:s7], [sflag:$0x1] =	stream.indirect.gather [hbm4b:s5+s6], $0x1, s2, s6, $0xb8;
	[tilespmem:$0x100] =	vst v63  }
.Ltmp0:
0x14: {  	_ =	swait.ge [sflag:s8], $0x20;
	(pc) =	sbr.rel @!p0 .LBB2_2-.Ltmp0, $4  }
0x15: {  	[sflag:s8] =	ssyncset.done $0x0  }
0x16: {  	s9 =	sadd.s32 $0x186D400, s9;
	[sflag:s8] =	ssyncadd.s32 $0xFFFFFFE0  }
0x17: {  	[hbm4b:s9+s2] =	stream.linear.scatter [tilespmem:s7], [sflag:$0x2], $0x20, $0x38;
	[tilespmem:$0x100] =	vst v63  }
0x18: {  	s10 =	sadd.s32 $0xFFFFFFFF, s10;
	_ =	swait.ge [sflag:s3], $0x20  }
.LBB2_1:
0x19: {  	p0 =	sne.s32 s10, $0x1;
	s10 =	sadd.s32 $0xFFFFFFFF, s10;
	[sflag:s3] =	ssyncset.done $0x0  }
0x1a: {  	[sflag:s3] =	ssyncadd.s32 $0xFFFFFFE0  }
0x1b: {  	[tilespmem:s2], [sflag:$0x2] =	stream.linear.gather [hbm4b:s4+s2], $0x20, $0x38;
	[tilespmem:$0x100] =	vst v63  }
0x1c: {  	_ =	swait.ge [sflag:s3], $0x20  }
0x1d: {  	[sflag:s3] =	ssyncset.done $0x0  }
0x1e: {  	[sflag:s3] =	ssyncadd.s32 $0xFFFFFFE0  }
0x1f: {  	v2 =	vld [tilespmem:$0x0]  }
0x20: {  	v3 =	vld [tilespmem:$0x10];
	_ =	sdelay $0x3  }
0x21: {  	v2 =	vadd.s32 v2, v0  }
0x22: {  	[tilespmem:$0x0] =	vst v2;
	v2 =	vadd.s32 v3, v1  }
0x23: {  	[tilespmem:$0x10] =	vst v2  }
0x24: {  	[tilespmem:s7], [sflag:$0x1] =	stream.indirect.gather [hbm4b:s5+s6], $0x1, s2, s6, $0xb8;
	[tilespmem:$0x100] =	vst v63  }
.Ltmp1:
0x25: {  	_ =	swait.ge [sflag:s8], $0x20;
	(pc) =	sbr.rel @p0 .LBB2_1-.Ltmp1, $4  }
0x26: {  	[sflag:s8] =	ssyncset.done $0x0  }
0x27: {  	[sflag:s8] =	ssyncadd.s32 $0xFFFFFFE0  }
0x28: {  	[hbm4b:s9+s2] =	stream.linear.scatter [tilespmem:s7], [sflag:$0x2], $0x20, $0x38;
	[tilespmem:$0x100] =	vst v63  }
0x29: {  	_ =	swait.ge [sflag:s3], $0x20  }
.LBB2_2:
0x2a: {  	[sflag:s3] =	ssyncset.done $0x0  }
0x2b: {  	[sflag:s3] =	ssyncadd.s32 $0xFFFFFFE0  }
0x2c: {  	_ =	sfence.sel $0x180000  }
0x2d: {  	[bflag:$0x0] =	sbarrier.arrive $0xFFFF  }
0x2e: {  	p0 =	sne.s32 s0, $0x0;
	_ =	strace $0x90000047  }
0x2f: {  	s0 =	sadd.s32 @!p0 $0x100000, s1;
	[bflag:$0x2] =	sbarrier.arrive $0xFFFF  }
0x30: {  	[sflag:s0] =	ssyncadd.tile.s32 @!p0 $0x1;
	_ =	shalt  }
.Lfunc_end2:
_tile_overlayer_lowered:
.L_overlay_start_2:
0x31: {  	(tag) =	ssettag $0x2  }
0x32: {  	s0 =	rddreg [dreg:$0x0];
	s2 =	stileid.u32  }
0x33: {  	s1 =	rddreg [dreg:$0x1];
	p0 =	sne.s32 s2, $0x0  }
0x34: {  	s3 =	rddreg [dreg:$0x2];
	[bflag:$0x3] =	sbarrier.arrive $0xFFFF;
	s2 =	simm.s32 @!p0 $0x1C02  }
0x35: {  	[timem:s3], [sflag:s2] =	dma.local @!p0 [hbm:s0], s1  }
0x36: {  	s0 =	simm.s32 @!p0 $0x2  }
0x37: {  	_ =	swait.ge @!p0 [sflag:s0], s1  }
0x38: {  	s1 =	ssub.s32 @!p0 $0x0, s1;
	[sflag:s0] =	ssyncset.done @!p0 $0x0  }
0x39: {  	[sflag:s0] =	ssyncadd.s32 @!p0 s1  }
0x3a: {  	[bflag:$0x3] =	sbarrier.arrive $0xFFFF  }
0x3b: {  	_ =	shalt  }

</sc_bundles>
